<compile_context>
chip_gen: v7x
topology: tpu7x:2x2x1
jax: 0.10.2.dev20260603
libtpu: 0.0.44.dev20260713+nightly
codegen_flags: <defaults>
</compile_context>

<pallas_src>
import functools

import jax
import jax.numpy as jnp
from jax import lax
from jax.experimental import pallas as pl
from jax.experimental.pallas import tpu as pltpu
from jax.experimental.pallas import tpu_sc as plsc

_LAMB = max(5.0, 1500.0 / 1.1)
_INV = 1.0 / (1.0 + _LAMB)
_CBLK = 2000


def _sc_gather(cosT, phiT, t32, n_rows, n_cols):
    info = plsc.get_sparse_core_info()
    nw = info.num_cores * info.num_subcores
    bpw = n_rows // nw
    mesh = plsc.VectorSubcoreMesh(core_axis_name="c", subcore_axis_name="s")

    @functools.partial(
        pl.kernel,
        mesh=mesh,
        out_type=(
            jax.ShapeDtypeStruct((n_rows, n_rows), jnp.float32),
            jax.ShapeDtypeStruct((n_rows, n_rows), jnp.float32),
        ),
        scratch_types=[
            pltpu.VMEM((bpw,), jnp.int32),
            pltpu.VMEM((bpw, n_rows), jnp.float32),
            pltpu.SemaphoreType.DMA,
        ],
    )
    def gather_kernel(cos_hbm, phi_hbm, t_hbm, cwin_out, pwin_out,
                      t_v, rows_v, sem):
        wid = lax.axis_index("s") * info.num_cores + lax.axis_index("c")
        base = wid * bpw
        pltpu.sync_copy(t_hbm.at[pl.ds(base, bpw)], t_v)
        for src, dst in ((cos_hbm, cwin_out), (phi_hbm, pwin_out)):
            pltpu.async_copy(src.at[t_v], rows_v, sem).wait()
            pltpu.sync_copy(rows_v, dst.at[pl.ds(base, bpw)])

    return gather_kernel(cosT, phiT, t32)


def _stream_body(cosT_ref, m_ref, s_ref, amax_ref):
    i = pl.program_id(0)
    x = cosT_ref[...]
    bm = jnp.max(x, axis=0, keepdims=True)
    rows = lax.broadcasted_iota(jnp.int32, x.shape, 0)
    bidx = jnp.min(jnp.where(x == bm, rows, jnp.int32(2**30)),
                   axis=0, keepdims=True) + i * _CBLK

    @pl.when(i == 0)
    def _init():
        m_ref[...] = jnp.full(bm.shape, -jnp.inf, jnp.float32)
        s_ref[...] = jnp.zeros(bm.shape, jnp.float32)
        amax_ref[...] = jnp.zeros(bm.shape, jnp.int32)

    m_old = m_ref[...]
    m_new = jnp.maximum(m_old, bm)
    bs = jnp.sum(jnp.exp(x - m_new), axis=0, keepdims=True)
    s_ref[...] = s_ref[...] * jnp.exp(m_old - m_new) + bs
    amax_ref[...] = jnp.where(bm > m_old, bidx, amax_ref[...])
    m_ref[...] = m_new


def _tc_stream(cosT):
    n_cols, n_rows = cosT.shape
    grid = (n_cols // _CBLK,)
    return pl.pallas_call(
        _stream_body,
        grid=grid,
        in_specs=[pl.BlockSpec((_CBLK, n_rows), lambda i: (i, 0))],
        out_specs=(
            pl.BlockSpec((1, n_rows), lambda i: (0, 0)),
            pl.BlockSpec((1, n_rows), lambda i: (0, 0)),
            pl.BlockSpec((1, n_rows), lambda i: (0, 0)),
        ),
        out_shape=(
            jax.ShapeDtypeStruct((1, n_rows), jnp.float32),
            jax.ShapeDtypeStruct((1, n_rows), jnp.float32),
            jax.ShapeDtypeStruct((1, n_rows), jnp.int32),
        ),
        compiler_params=pltpu.CompilerParams(
            dimension_semantics=("arbitrary",),
        ),
    )(cosT)


def _epilogue_body(m_ref, s_ref, amax_ref, trow_ref,
                   cwin_ref, pwin_ref, loss_ref, acc_ref):
    bm = m_ref[...]
    s = s_ref[...]
    amax = amax_ref[...]
    trow = trow_ref[...]
    n = trow.shape[1]
    row2 = lax.broadcasted_iota(jnp.int32, (n, n), 0)
    lane2 = lax.broadcasted_iota(jnp.int32, (n, n), 1)
    diag = row2 == lane2
    ct = jnp.sum(jnp.where(diag, cwin_ref[...], 0.0), axis=0, keepdims=True)
    pt = jnp.sum(jnp.where(diag, pwin_ref[...], 0.0), axis=0, keepdims=True)
    v = ct + (pt - ct) * _INV
    s_adj = s - jnp.exp(ct - bm) + jnp.exp(v - bm)
    logpt = v - bm - jnp.log(s_adj)
    scale = jnp.float32(1.0 / n)
    loss_ref[...] = -jnp.sum(logpt, axis=(0, 1), keepdims=True) * scale
    acc_ref[...] = jnp.sum((amax == trow).astype(jnp.float32),
                           axis=(0, 1), keepdims=True) * scale


def _tc_epilogue(m, s, amax, trow, cwin, pwin):
    n_rows = trow.shape[1]
    return pl.pallas_call(
        _epilogue_body,
        in_specs=[
            pl.BlockSpec((1, n_rows), lambda: (0, 0)),
            pl.BlockSpec((1, n_rows), lambda: (0, 0)),
            pl.BlockSpec((1, n_rows), lambda: (0, 0)),
            pl.BlockSpec((1, n_rows), lambda: (0, 0)),
            pl.BlockSpec((n_rows, n_rows), lambda: (0, 0)),
            pl.BlockSpec((n_rows, n_rows), lambda: (0, 0)),
        ],
        out_specs=(
            pl.BlockSpec((1, 1), lambda: (0, 0)),
            pl.BlockSpec((1, 1), lambda: (0, 0)),
        ),
        out_shape=(
            jax.ShapeDtypeStruct((1, 1), jnp.float32),
            jax.ShapeDtypeStruct((1, 1), jnp.float32),
        ),
    )(m, s, amax, trow, cwin, pwin)


def kernel(cos_theta, phi_theta, target):
    n_rows, n_cols = cos_theta.shape
    t32 = target.reshape(-1).astype(jnp.int32)
    cosT = cos_theta.T
    phiT = phi_theta.T
    cwin, pwin = _sc_gather(cosT, phiT, t32, n_rows, n_cols)
    m, s, amax = _tc_stream(cosT)
    loss, acc = _tc_epilogue(m, s, amax, t32.reshape(1, n_rows), cwin, pwin)
    return loss[0, 0], acc[0, 0]

# --- scband reference (transcript-rebuilt; emitter-appended) ---
"""Pipeline reference for scband-custom-loss-63479616635353 (READ-ONLY COPY).

The authoritative reference and input builder live on the scoring server;
editing this copy changes nothing except your own understanding.
"""

import jax, jax.numpy as jnp
import numpy as np

B = 1024
C = 100000

def setup_inputs(seed: int = 0) -> dict:
    key = jax.random.key(seed)
    k1, k2, k3 = jax.random.split(key, 3)
    cos_theta = jax.random.normal(k1, (B, C), dtype=jnp.float32)
    phi_theta = jax.random.normal(k2, (B, C), dtype=jnp.float32)
    target = jax.random.randint(k3, (B,), 0, C, dtype=jnp.int64)
    return {"cos_theta": cos_theta, "phi_theta": phi_theta, "target": target}

def reference(cos_theta, phi_theta, target):
    # SphereFace A-Softmax loss; self.it increments to 1 on first forward call.
    it = 1
    LambdaMin = 5.0
    LambdaMax = 1500.0
    lamb = max(LambdaMin, LambdaMax / (1.0 + 0.1 * it))
    t = target.reshape(-1)
    rows = jnp.arange(cos_theta.shape[0])
    ct = cos_theta[rows, t]
    pt = phi_theta[rows, t]
    # output = cos_theta; at target positions subtract cos/(1+lamb) and add phi/(1+lamb)
    output = cos_theta.at[rows, t].add(-ct / (1.0 + lamb) + pt / (1.0 + lamb))
    logpt = jax.nn.log_softmax(output, axis=1)
    loss = jnp.mean(-logpt[rows, t])
    predicted = jnp.argmax(cos_theta, axis=1)
    accuracy = jnp.mean((predicted == t).astype(jnp.float32))
    return (loss, accuracy)

if __name__ == "__main__":
    import jax
    _d = setup_inputs()
    print(jax.jit(kernel)(*tuple(_d.values())))

</pallas_src>

<mosaic_0001>
#map = affine_map<(d0, d1) -> (0, 0)>
#map1 = affine_map<(d0, d1) -> (0)>
module attributes {stable_mosaic.version = 14 : i64} {
  func.func @gather_kernel(%arg0: i32, %arg1: i32, %arg2: memref<100000x1024xf32, #tpu.memory_space<hbm>>, %arg3: memref<100000x1024xf32, #tpu.memory_space<hbm>>, %arg4: memref<1024xi32, #tpu.memory_space<hbm>>, %arg5: memref<1024x1024xf32, #tpu.memory_space<hbm>>, %arg6: memref<1024x1024xf32, #tpu.memory_space<hbm>>, %arg7: memref<32xi32, #tpu.memory_space<vmem>>, %arg8: memref<32x1024xf32, #tpu.memory_space<vmem>>, %arg9: memref<!tpu.dma_semaphore, #tpu.memory_space<semaphore_mem>>) attributes {dimension_semantics = [#tpu.dimension_semantics<core_parallel>, #tpu.dimension_semantics<subcore_parallel>], iteration_bounds = array<i64: 2, 16>, scalar_prefetch = 0 : i64, scratch_operands = 3 : i64, tpu.core_type = #tpu.core_type<sc_vector_subcore>, window_params = [{transform_indices = #map}, {transform_indices = #map}, {transform_indices = #map1}, {transform_indices = #map}, {transform_indices = #map}]} {
    %mul3A = arith.constant 2 : i32
    %mul3A_0 = arith.muli %arg1, %mul3A : i32
    %add3A = arith.addi %mul3A_0, %arg0 : i32
    %mul3A_1 = arith.constant 32 : i32
    %mul3A_2 = arith.muli %add3A, %mul3A_1 : i32
    "tpu.region"() ({
      %run_scoped3A = tpu.sem_alloc : memref<!tpu.dma_semaphore, #tpu.memory_space<semaphore_mem>>
      %dma_start3A_13 = tpu.memref_slice %arg4[%mul3A_2] : memref<1024xi32, #tpu.memory_space<hbm>> -> memref<32xi32, #tpu.memory_space<hbm>>
      %dma_start3A_14 = tpu.memref_slice %arg4[%mul3A_2] : memref<1024xi32, #tpu.memory_space<hbm>> -> memref<32xi32, #tpu.memory_space<hbm>>
      tpu.enqueue_dma source(%dma_start3A_14 : memref<32xi32, #tpu.memory_space<hbm>>) target(%arg7 : memref<32xi32, #tpu.memory_space<vmem>>) target_semaphore(%run_scoped3A : memref<!tpu.dma_semaphore, #tpu.memory_space<semaphore_mem>>)
      %dma_wait3A_15 = tpu.memref_slice %arg4[%mul3A_2] : memref<1024xi32, #tpu.memory_space<hbm>> -> memref<32xi32, #tpu.memory_space<hbm>>
      %dma_wait3A_16 = tpu.memref_slice %arg4[%mul3A_2] : memref<1024xi32, #tpu.memory_space<hbm>> -> memref<32xi32, #tpu.memory_space<hbm>>
      tpu.wait_dma2 semaphore(%run_scoped3A : memref<!tpu.dma_semaphore, #tpu.memory_space<semaphore_mem>>) src(%dma_wait3A_16 : memref<32xi32, #tpu.memory_space<hbm>>) dst(%arg7 : memref<32xi32, #tpu.memory_space<vmem>>)
      tpu.yield
    }) : () -> ()
    %dma_start3A = arith.constant 0 : i32
    %dma_start3A_3 = arith.constant 0 : i32
    %dma_start3A_4 = tpu.memref_slice %arg2[%dma_start3A, %dma_start3A_3] : memref<100000x1024xf32, #tpu.memory_space<hbm>> -> memref<100000x1024xf32, #tpu.memory_space<hbm>>
    tpu.enqueue_indirect_dma source(%dma_start3A_4 : memref<100000x1024xf32, #tpu.memory_space<hbm>>) target(%arg8 : memref<32x1024xf32, #tpu.memory_space<vmem>>) offsets(%arg7 : memref<32xi32, #tpu.memory_space<vmem>>) semaphore(%arg9 : memref<!tpu.dma_semaphore, #tpu.memory_space<semaphore_mem>>)
    %dma_wait3A = arith.constant 0 : i32
    %dma_wait3A_5 = arith.constant 0 : i32
    %dma_wait3A_6 = tpu.memref_slice %arg2[%dma_wait3A, %dma_wait3A_5] : memref<100000x1024xf32, #tpu.memory_space<hbm>> -> memref<100000x1024xf32, #tpu.memory_space<hbm>>
    tpu.wait_indirect_dma semaphore(%arg9 : memref<!tpu.dma_semaphore, #tpu.memory_space<semaphore_mem>>) src(%dma_wait3A_6 : memref<100000x1024xf32, #tpu.memory_space<hbm>>) dst(%arg8 : memref<32x1024xf32, #tpu.memory_space<vmem>>)
    "tpu.region"() ({
      %run_scoped3A = tpu.sem_alloc : memref<!tpu.dma_semaphore, #tpu.memory_space<semaphore_mem>>
      %dma_start3A_13 = arith.constant 0 : i32
      %dma_start3A_14 = tpu.memref_slice %arg5[%mul3A_2, %dma_start3A_13] : memref<1024x1024xf32, #tpu.memory_space<hbm>> -> memref<32x1024xf32, #tpu.memory_space<hbm>>
      %dma_start3A_15 = arith.constant 0 : i32
      %dma_start3A_16 = tpu.memref_slice %arg5[%mul3A_2, %dma_start3A_15] : memref<1024x1024xf32, #tpu.memory_space<hbm>> -> memref<32x1024xf32, #tpu.memory_space<hbm>>
      tpu.enqueue_dma source(%arg8 : memref<32x1024xf32, #tpu.memory_space<vmem>>) target(%dma_start3A_16 : memref<32x1024xf32, #tpu.memory_space<hbm>>) target_semaphore(%run_scoped3A : memref<!tpu.dma_semaphore, #tpu.memory_space<semaphore_mem>>)
      %dma_wait3A_17 = arith.constant 0 : i32
      %dma_wait3A_18 = tpu.memref_slice %arg5[%mul3A_2, %dma_wait3A_17] : memref<1024x1024xf32, #tpu.memory_space<hbm>> -> memref<32x1024xf32, #tpu.memory_space<hbm>>
      %dma_wait3A_19 = arith.constant 0 : i32
      %dma_wait3A_20 = tpu.memref_slice %arg5[%mul3A_2, %dma_wait3A_19] : memref<1024x1024xf32, #tpu.memory_space<hbm>> -> memref<32x1024xf32, #tpu.memory_space<hbm>>
      tpu.wait_dma2 semaphore(%run_scoped3A : memref<!tpu.dma_semaphore, #tpu.memory_space<semaphore_mem>>) src(%arg8 : memref<32x1024xf32, #tpu.memory_space<vmem>>) dst(%dma_wait3A_20 : memref<32x1024xf32, #tpu.memory_space<hbm>>)
      tpu.yield
    }) : () -> ()
    %dma_start3A_7 = arith.constant 0 : i32
    %dma_start3A_8 = arith.constant 0 : i32
    %dma_start3A_9 = tpu.memref_slice %arg3[%dma_start3A_7, %dma_start3A_8] : memref<100000x1024xf32, #tpu.memory_space<hbm>> -> memref<100000x1024xf32, #tpu.memory_space<hbm>>
    tpu.enqueue_indirect_dma source(%dma_start3A_9 : memref<100000x1024xf32, #tpu.memory_space<hbm>>) target(%arg8 : memref<32x1024xf32, #tpu.memory_space<vmem>>) offsets(%arg7 : memref<32xi32, #tpu.memory_space<vmem>>) semaphore(%arg9 : memref<!tpu.dma_semaphore, #tpu.memory_space<semaphore_mem>>)
    %dma_wait3A_10 = arith.constant 0 : i32
    %dma_wait3A_11 = arith.constant 0 : i32
    %dma_wait3A_12 = tpu.memref_slice %arg3[%dma_wait3A_10, %dma_wait3A_11] : memref<100000x1024xf32, #tpu.memory_space<hbm>> -> memref<100000x1024xf32, #tpu.memory_space<hbm>>
    tpu.wait_indirect_dma semaphore(%arg9 : memref<!tpu.dma_semaphore, #tpu.memory_space<semaphore_mem>>) src(%dma_wait3A_12 : memref<100000x1024xf32, #tpu.memory_space<hbm>>) dst(%arg8 : memref<32x1024xf32, #tpu.memory_space<vmem>>)
    "tpu.region"() ({
      %run_scoped3A = tpu.sem_alloc : memref<!tpu.dma_semaphore, #tpu.memory_space<semaphore_mem>>
      %dma_start3A_13 = arith.constant 0 : i32
      %dma_start3A_14 = tpu.memref_slice %arg6[%mul3A_2, %dma_start3A_13] : memref<1024x1024xf32, #tpu.memory_space<hbm>> -> memref<32x1024xf32, #tpu.memory_space<hbm>>
      %dma_start3A_15 = arith.constant 0 : i32
      %dma_start3A_16 = tpu.memref_slice %arg6[%mul3A_2, %dma_start3A_15] : memref<1024x1024xf32, #tpu.memory_space<hbm>> -> memref<32x1024xf32, #tpu.memory_space<hbm>>
      tpu.enqueue_dma source(%arg8 : memref<32x1024xf32, #tpu.memory_space<vmem>>) target(%dma_start3A_16 : memref<32x1024xf32, #tpu.memory_space<hbm>>) target_semaphore(%run_scoped3A : memref<!tpu.dma_semaphore, #tpu.memory_space<semaphore_mem>>)
      %dma_wait3A_17 = arith.constant 0 : i32
      %dma_wait3A_18 = tpu.memref_slice %arg6[%mul3A_2, %dma_wait3A_17] : memref<1024x1024xf32, #tpu.memory_space<hbm>> -> memref<32x1024xf32, #tpu.memory_space<hbm>>
      %dma_wait3A_19 = arith.constant 0 : i32
      %dma_wait3A_20 = tpu.memref_slice %arg6[%mul3A_2, %dma_wait3A_19] : memref<1024x1024xf32, #tpu.memory_space<hbm>> -> memref<32x1024xf32, #tpu.memory_space<hbm>>
      tpu.wait_dma2 semaphore(%run_scoped3A : memref<!tpu.dma_semaphore, #tpu.memory_space<semaphore_mem>>) src(%arg8 : memref<32x1024xf32, #tpu.memory_space<vmem>>) dst(%dma_wait3A_20 : memref<32x1024xf32, #tpu.memory_space<hbm>>)
      tpu.yield
    }) : () -> ()
    return
  }
}

module attributes {stable_mosaic.version = 14 : i64} {
  func.func @_stream_body(%arg0: i32, %arg1: memref<2000x1024xf32, #tpu.memory_space<vmem>>, %arg2: memref<1x1024xf32, #tpu.memory_space<vmem>>, %arg3: memref<1x1024xf32, #tpu.memory_space<vmem>>, %arg4: memref<1x1024xi32, #tpu.memory_space<vmem>>) attributes {dimension_semantics = [#tpu.dimension_semantics<arbitrary>], iteration_bounds = array<i64: 50>, scalar_prefetch = 0 : i64, scratch_operands = 0 : i64, tpu.core_type = #tpu.core_type<tc>, window_params = [{transform_indices = @transform_0, window_bounds = array<i64: 2000, 1024>}, {pipeline_mode = #tpu.pipeline_mode<synchronous>, transform_indices = @transform_1, window_bounds = array<i64: 1, 1024>}, {pipeline_mode = #tpu.pipeline_mode<synchronous>, transform_indices = @transform_2, window_bounds = array<i64: 1, 1024>}, {pipeline_mode = #tpu.pipeline_mode<synchronous>, transform_indices = @transform_3, window_bounds = array<i64: 1, 1024>}]} {
    %get3A = arith.constant 0 : index
    %get3A_0 = arith.constant 0 : index
    %get3A_1 = vector.load %arg1[%get3A, %get3A_0] : memref<2000x1024xf32, #tpu.memory_space<vmem>>, vector<2000x1024xf32>
    %reduce_max3A = arith.constant dense<0xFF800000> : vector<1024xf32>
    %reduce_max3A_2 = vector.multi_reduction <maximumf>, %get3A_1, %reduce_max3A [0] : vector<2000x1024xf32> to vector<1024xf32>
    %broadcast_in_dim3A = vector.shape_cast %reduce_max3A_2 : vector<1024xf32> to vector<1x1024xf32>
    %iota3A = tpu.iota {dimensions = array<i32: 0>} : vector<2000x1024xi32>
    %eq3A = vector.broadcast %broadcast_in_dim3A : vector<1x1024xf32> to vector<2000x1024xf32>
    %eq3A_3 = arith.cmpf oeq, %get3A_1, %eq3A : vector<2000x1024xf32>
    %jit3A = arith.constant 1073741824 : i32
    %broadcast_in_dim3A_4 = vector.broadcast %jit3A : i32 to vector<2000x1024xi32>
    %select_n3A = arith.select %eq3A_3, %iota3A, %broadcast_in_dim3A_4 : vector<2000x1024xi1>, vector<2000x1024xi32>
    %reduce_min3A = arith.constant dense<2147483647> : vector<1024xi32>
    %reduce_min3A_5 = vector.multi_reduction <minsi>, %select_n3A, %reduce_min3A [0] : vector<2000x1024xi32> to vector<1024xi32>
    %broadcast_in_dim3A_6 = vector.shape_cast %reduce_min3A_5 : vector<1024xi32> to vector<1x1024xi32>
    %mul3A = arith.constant 2000 : i32
    %mul3A_7 = arith.muli %arg0, %mul3A : i32
    %add3A = vector.broadcast %mul3A_7 : i32 to vector<1x1024xi32>
    %add3A_8 = arith.addi %broadcast_in_dim3A_6, %add3A : vector<1x1024xi32>
    %eq3A_9 = arith.constant 0 : i32
    %eq3A_10 = arith.cmpi eq, %arg0, %eq3A_9 : i32
    %convert_element_type3A = arith.extui %eq3A_10 : i1 to i32
    %cond3A = arith.constant 0 : i32
    %cond3A_11 = arith.cmpi ne, %convert_element_type3A, %cond3A : i32
    scf.if %cond3A_11 {
      %broadcast_in_dim3A_37 = arith.constant 0xFF800000 : f32
      %broadcast_in_dim3A_38 = vector.broadcast %broadcast_in_dim3A_37 : f32 to vector<1x1024xf32>
      %swap3A_39 = arith.constant 0 : index
      %swap3A_40 = arith.constant 0 : index
      %swap3A_41 = vector.load %arg2[%swap3A_39, %swap3A_40] : memref<1x1024xf32, #tpu.memory_space<vmem>>, vector<1x1024xf32>
      tpu.vector_store %arg2[%swap3A_39, %swap3A_40], %broadcast_in_dim3A_38 {strides = array<i32>} : memref<1x1024xf32, #tpu.memory_space<vmem>>, vector<1x1024xf32>,
      %broadcast_in_dim3A_42 = arith.constant 0.000000e+00 : f32
      %broadcast_in_dim3A_43 = vector.broadcast %broadcast_in_dim3A_42 : f32 to vector<1x1024xf32>
      %swap3A_44 = arith.constant 0 : index
      %swap3A_45 = arith.constant 0 : index
      %swap3A_46 = vector.load %arg3[%swap3A_44, %swap3A_45] : memref<1x1024xf32, #tpu.memory_space<vmem>>, vector<1x1024xf32>
      tpu.vector_store %arg3[%swap3A_44, %swap3A_45], %broadcast_in_dim3A_43 {strides = array<i32>} : memref<1x1024xf32, #tpu.memory_space<vmem>>, vector<1x1024xf32>,
      %broadcast_in_dim3A_47 = arith.constant 0 : i32
      %broadcast_in_dim3A_48 = vector.broadcast %broadcast_in_dim3A_47 : i32 to vector<1x1024xi32>
      %swap3A_49 = arith.constant 0 : index
      %swap3A_50 = arith.constant 0 : index
      %swap3A_51 = vector.load %arg4[%swap3A_49, %swap3A_50] : memref<1x1024xi32, #tpu.memory_space<vmem>>, vector<1x1024xi32>
      tpu.vector_store %arg4[%swap3A_49, %swap3A_50], %broadcast_in_dim3A_48 {strides = array<i32>} : memref<1x1024xi32, #tpu.memory_space<vmem>>, vector<1x1024xi32>,
    } else {
    }
    %get3A_12 = arith.constant 0 : index
    %get3A_13 = arith.constant 0 : index
    %get3A_14 = vector.load %arg2[%get3A_12, %get3A_13] : memref<1x1024xf32, #tpu.memory_space<vmem>>, vector<1x1024xf32>
    %max3A = arith.maximumf %get3A_14, %broadcast_in_dim3A : vector<1x1024xf32>
    %sub3A = vector.broadcast %max3A : vector<1x1024xf32> to vector<2000x1024xf32>
    %sub3A_15 = arith.subf %get3A_1, %sub3A : vector<2000x1024xf32>
    %exp3A = math.exp %sub3A_15 : vector<2000x1024xf32>
    %reduce_sum3A = arith.constant dense<0.000000e+00> : vector<1024xf32>
    %reduce_sum3A_16 = vector.multi_reduction <add>, %exp3A, %reduce_sum3A [0] : vector<2000x1024xf32> to vector<1024xf32>
    %broadcast_in_dim3A_17 = vector.shape_cast %reduce_sum3A_16 : vector<1024xf32> to vector<1x1024xf32>
    %get3A_18 = arith.constant 0 : index
    %get3A_19 = arith.constant 0 : index
    %get3A_20 = vector.load %arg3[%get3A_18, %get3A_19] : memref<1x1024xf32, #tpu.memory_space<vmem>>, vector<1x1024xf32>
    %sub3A_21 = arith.subf %get3A_14, %max3A : vector<1x1024xf32>
    %exp3A_22 = math.exp %sub3A_21 : vector<1x1024xf32>
    %mul3A_23 = arith.mulf %get3A_20, %exp3A_22 : vector<1x1024xf32>
    %add3A_24 = arith.addf %mul3A_23, %broadcast_in_dim3A_17 : vector<1x1024xf32>
    %swap3A = arith.constant 0 : index
    %swap3A_25 = arith.constant 0 : index
    %swap3A_26 = vector.load %arg3[%swap3A, %swap3A_25] : memref<1x1024xf32, #tpu.memory_space<vmem>>, vector<1x1024xf32>
    tpu.vector_store %arg3[%swap3A, %swap3A_25], %add3A_24 {strides = array<i32>} : memref<1x1024xf32, #tpu.memory_space<vmem>>, vector<1x1024xf32>,
    %gt3A = arith.cmpf ogt, %broadcast_in_dim3A, %get3A_14 : vector<1x1024xf32>
    %get3A_27 = arith.constant 0 : index
    %get3A_28 = arith.constant 0 : index
    %get3A_29 = vector.load %arg4[%get3A_27, %get3A_28] : memref<1x1024xi32, #tpu.memory_space<vmem>>, vector<1x1024xi32>
    %select_n3A_30 = arith.select %gt3A, %add3A_8, %get3A_29 : vector<1x1024xi1>, vector<1x1024xi32>
    %swap3A_31 = arith.constant 0 : index
    %swap3A_32 = arith.constant 0 : index
    %swap3A_33 = vector.load %arg4[%swap3A_31, %swap3A_32] : memref<1x1024xi32, #tpu.memory_space<vmem>>, vector<1x1024xi32>
    tpu.vector_store %arg4[%swap3A_31, %swap3A_32], %select_n3A_30 {strides = array<i32>} : memref<1x1024xi32, #tpu.memory_space<vmem>>, vector<1x1024xi32>,
    %swap3A_34 = arith.constant 0 : index
    %swap3A_35 = arith.constant 0 : index
    %swap3A_36 = vector.load %arg2[%swap3A_34, %swap3A_35] : memref<1x1024xf32, #tpu.memory_space<vmem>>, vector<1x1024xf32>
    tpu.vector_store %arg2[%swap3A_34, %swap3A_35], %max3A {strides = array<i32>} : memref<1x1024xf32, #tpu.memory_space<vmem>>, vector<1x1024xf32>,
    return
  }
  func.func @transform_0(%arg0: i32) -> (i32, i32) {
    %c0_i32 = arith.constant 0 : i32
    %c0_i32_0 = arith.constant 0 : i32
    return %arg0, %c0_i32 : i32, i32
  }
  func.func @transform_1(%arg0: i32) -> (i32, i32) {
    %c0_i32 = arith.constant 0 : i32
    %c0_i32_0 = arith.constant 0 : i32
    %c0_i32_1 = arith.constant 0 : i32
    return %c0_i32, %c0_i32_0 : i32, i32
  }
  func.func @transform_2(%arg0: i32) -> (i32, i32) {
    %c0_i32 = arith.constant 0 : i32
    %c0_i32_0 = arith.constant 0 : i32
    %c0_i32_1 = arith.constant 0 : i32
    return %c0_i32, %c0_i32_0 : i32, i32
  }
  func.func @transform_3(%arg0: i32) -> (i32, i32) {
    %c0_i32 = arith.constant 0 : i32
    %c0_i32_0 = arith.constant 0 : i32
    %c0_i32_1 = arith.constant 0 : i32
    return %c0_i32, %c0_i32_0 : i32, i32
  }
}

module attributes {stable_mosaic.version = 14 : i64} {
  func.func @_epilogue_body(%arg0: memref<1x1024xf32, #tpu.memory_space<vmem>>, %arg1: memref<1x1024xf32, #tpu.memory_space<vmem>>, %arg2: memref<1x1024xi32, #tpu.memory_space<vmem>>, %arg3: memref<1x1024xi32, #tpu.memory_space<vmem>>, %arg4: memref<1024x1024xf32, #tpu.memory_space<vmem>>, %arg5: memref<1024x1024xf32, #tpu.memory_space<vmem>>, %arg6: memref<1x1xf32, #tpu.memory_space<vmem>>, %arg7: memref<1x1xf32, #tpu.memory_space<vmem>>) attributes {dimension_semantics = [], scalar_prefetch = 0 : i64, scratch_operands = 0 : i64, tpu.core_type = #tpu.core_type<tc>} {
    %get3A = arith.constant 0 : index
    %get3A_0 = arith.constant 0 : index
    %get3A_1 = vector.load %arg0[%get3A, %get3A_0] : memref<1x1024xf32, #tpu.memory_space<vmem>>, vector<1x1024xf32>
    %get3A_2 = arith.constant 0 : index
    %get3A_3 = arith.constant 0 : index
    %get3A_4 = vector.load %arg1[%get3A_2, %get3A_3] : memref<1x1024xf32, #tpu.memory_space<vmem>>, vector<1x1024xf32>
    %get3A_5 = arith.constant 0 : index
    %get3A_6 = arith.constant 0 : index
    %get3A_7 = vector.load %arg2[%get3A_5, %get3A_6] : memref<1x1024xi32, #tpu.memory_space<vmem>>, vector<1x1024xi32>
    %get3A_8 = arith.constant 0 : index
    %get3A_9 = arith.constant 0 : index
    %get3A_10 = vector.load %arg3[%get3A_8, %get3A_9] : memref<1x1024xi32, #tpu.memory_space<vmem>>, vector<1x1024xi32>
    %iota3A = tpu.iota {dimensions = array<i32: 0>} : vector<1024x1024xi32>
    %iota3A_11 = tpu.iota {dimensions = array<i32: 1>} : vector<1024x1024xi32>
    %eq3A = arith.cmpi eq, %iota3A, %iota3A_11 : vector<1024x1024xi32>
    %get3A_12 = arith.constant 0 : index
    %get3A_13 = arith.constant 0 : index
    %get3A_14 = vector.load %arg4[%get3A_12, %get3A_13] : memref<1024x1024xf32, #tpu.memory_space<vmem>>, vector<1024x1024xf32>
    %jit3A = arith.constant 0.000000e+00 : f32
    %broadcast_in_dim3A = vector.broadcast %jit3A : f32 to vector<1024x1024xf32>
    %select_n3A = arith.select %eq3A, %get3A_14, %broadcast_in_dim3A : vector<1024x1024xi1>, vector<1024x1024xf32>
    %reduce_sum3A = arith.constant dense<0.000000e+00> : vector<1024xf32>
    %reduce_sum3A_15 = vector.multi_reduction <add>, %select_n3A, %reduce_sum3A [0] : vector<1024x1024xf32> to vector<1024xf32>
    %broadcast_in_dim3A_16 = vector.shape_cast %reduce_sum3A_15 : vector<1024xf32> to vector<1x1024xf32>
    %get3A_17 = arith.constant 0 : index
    %get3A_18 = arith.constant 0 : index
    %get3A_19 = vector.load %arg5[%get3A_17, %get3A_18] : memref<1024x1024xf32, #tpu.memory_space<vmem>>, vector<1024x1024xf32>
    %jit3A_20 = arith.constant 0.000000e+00 : f32
    %broadcast_in_dim3A_21 = vector.broadcast %jit3A_20 : f32 to vector<1024x1024xf32>
    %select_n3A_22 = arith.select %eq3A, %get3A_19, %broadcast_in_dim3A_21 : vector<1024x1024xi1>, vector<1024x1024xf32>
    %reduce_sum3A_23 = arith.constant dense<0.000000e+00> : vector<1024xf32>
    %reduce_sum3A_24 = vector.multi_reduction <add>, %select_n3A_22, %reduce_sum3A_23 [0] : vector<1024x1024xf32> to vector<1024xf32>
    %broadcast_in_dim3A_25 = vector.shape_cast %reduce_sum3A_24 : vector<1024xf32> to vector<1x1024xf32>
    %sub3A = arith.subf %broadcast_in_dim3A_25, %broadcast_in_dim3A_16 : vector<1x1024xf32>
    %mul3A = arith.constant 7.327960e-04 : f32
    %mul3A_26 = vector.broadcast %mul3A : f32 to vector<1x1024xf32>
    %mul3A_27 = arith.mulf %sub3A, %mul3A_26 : vector<1x1024xf32>
    %add3A = arith.addf %broadcast_in_dim3A_16, %mul3A_27 : vector<1x1024xf32>
    %sub3A_28 = arith.subf %broadcast_in_dim3A_16, %get3A_1 : vector<1x1024xf32>
    %exp3A = math.exp %sub3A_28 : vector<1x1024xf32>
    %sub3A_29 = arith.subf %get3A_4, %exp3A : vector<1x1024xf32>
    %sub3A_30 = arith.subf %add3A, %get3A_1 : vector<1x1024xf32>
    %exp3A_31 = math.exp %sub3A_30 : vector<1x1024xf32>
    %add3A_32 = arith.addf %sub3A_29, %exp3A_31 : vector<1x1024xf32>
    %sub3A_33 = arith.subf %add3A, %get3A_1 : vector<1x1024xf32>
    %log3A = math.log %add3A_32 : vector<1x1024xf32>
    %sub3A_34 = arith.subf %sub3A_33, %log3A : vector<1x1024xf32>
    %reduce_sum3A_35 = vector.shape_cast %sub3A_34 : vector<1x1024xf32> to vector<1x1x1024xf32>
    %reduce_sum3A_36 = arith.constant dense<0.000000e+00> : vector<1xf32>
    %reduce_sum3A_37 = vector.multi_reduction <add>, %reduce_sum3A_35, %reduce_sum3A_36 [1, 2] : vector<1x1x1024xf32> to vector<1xf32>
    %reduce_sum3A_38 = vector.shape_cast %reduce_sum3A_37 : vector<1xf32> to vector<1x1x1xf32>
    %reduce_sum3A_39 = vector.extract %reduce_sum3A_38[0, 0, 0] : f32 from vector<1x1x1xf32>
    %broadcast_in_dim3A_40 = vector.broadcast %reduce_sum3A_39 : f32 to vector<1x1xf32>
    %neg3A = arith.constant 0.000000e+00 : f32
    %neg3A_41 = vector.broadcast %neg3A : f32 to vector<1x1xf32>
    %neg3A_42 = arith.subf %neg3A_41, %broadcast_in_dim3A_40 : vector<1x1xf32>
    %mul3A_43 = arith.constant 9.765625E-4 : f32
    %mul3A_44 = vector.broadcast %mul3A_43 : f32 to vector<1x1xf32>
    %mul3A_45 = arith.mulf %neg3A_42, %mul3A_44 : vector<1x1xf32>
    %swap3A = arith.constant 0 : index
    %swap3A_46 = arith.constant 0 : index
    %swap3A_47 = vector.load %arg6[%swap3A, %swap3A_46] : memref<1x1xf32, #tpu.memory_space<vmem>>, vector<1x1xf32>
    tpu.vector_store %arg6[%swap3A, %swap3A_46], %mul3A_45 {strides = array<i32>} : memref<1x1xf32, #tpu.memory_space<vmem>>, vector<1x1xf32>,
    %eq3A_48 = arith.cmpi eq, %get3A_7, %get3A_10 : vector<1x1024xi32>
    %convert_element_type3A = arith.extui %eq3A_48 : vector<1x1024xi1> to vector<1x1024xi32>
    %convert_element_type3A_49 = arith.sitofp %convert_element_type3A : vector<1x1024xi32> to vector<1x1024xf32>
    %reduce_sum3A_50 = vector.shape_cast %convert_element_type3A_49 : vector<1x1024xf32> to vector<1x1x1024xf32>
    %reduce_sum3A_51 = arith.constant dense<0.000000e+00> : vector<1xf32>
    %reduce_sum3A_52 = vector.multi_reduction <add>, %reduce_sum3A_50, %reduce_sum3A_51 [1, 2] : vector<1x1x1024xf32> to vector<1xf32>
    %reduce_sum3A_53 = vector.shape_cast %reduce_sum3A_52 : vector<1xf32> to vector<1x1x1xf32>
    %reduce_sum3A_54 = vector.extract %reduce_sum3A_53[0, 0, 0] : f32 from vector<1x1x1xf32>
    %broadcast_in_dim3A_55 = vector.broadcast %reduce_sum3A_54 : f32 to vector<1x1xf32>
    %mul3A_56 = arith.constant 9.765625E-4 : f32
    %mul3A_57 = vector.broadcast %mul3A_56 : f32 to vector<1x1xf32>
    %mul3A_58 = arith.mulf %broadcast_in_dim3A_55, %mul3A_57 : vector<1x1xf32>
    %swap3A_59 = arith.constant 0 : index
    %swap3A_60 = arith.constant 0 : index
    %swap3A_61 = vector.load %arg7[%swap3A_59, %swap3A_60] : memref<1x1xf32, #tpu.memory_space<vmem>>, vector<1x1xf32>
    tpu.vector_store %arg7[%swap3A_59, %swap3A_60], %mul3A_58 {strides = array<i32>} : memref<1x1xf32, #tpu.memory_space<vmem>>, vector<1x1xf32>,
    return
  }
}

</mosaic_0001>

<sc_bundles>
// kernel: kernel.5.cloned.1.call-start
scs
__scs_entry_jumppad:
0x0: {  	(pc) =	sbr.rel $0x88, $3  }
0x1: {  	(tag) =	ssettag $0x0;
	lr =	simm.s32 $0x1  }
0x2: {  	[smem:$0x3F9E] =	sst lr;
	_ =	strace $0xD0000000  }
0x3: {  	_ = 	snop  }
0x4: {  	_ = 	snop  }
0x5: {  	_ = 	snop  }
0x6: {  	_ = 	snop  }
0x7: {  	_ = 	snop  }
__scs_overlays_trampoline_lowered:
0x8: {  	[smem:$0x3FAD] =	sst s0  }
0x9: {  	[smem:$0x3FAE] =	sst s1  }
0xa: {  	[smem:$0x3FAF] =	sst s2  }
0xb: {  	[smem:$0x3FB0] =	sst s3  }
0xc: {  	[smem:$0x3FB1] =	sst s4  }
0xd: {  	[smem:$0x3FB2] =	sst s5  }
0xe: {  	[smem:$0x3FB3] =	sst s6  }
0xf: {  	[smem:$0x3FB4] =	sst s7  }
0x10: {  	[smem:$0x3FB5] =	sst s8  }
0x11: {  	[smem:$0x3FB6] =	sst s9;
	s0 =	simm.s32 @!p0 $0x0  }
0x12: {  	s1 =	sld [smem:$0x3F9C];
	s0 =	simm.s32 @p0 $0x1  }
0x13: {  	[smem:$0x3FB7] =	sst s0;
	s0 =	simm.s32 @!p1 $0x0  }
0x14: {  	s2 =	sld [smem:$0x3F9B];
	s0 =	simm.s32 @p1 $0x1  }
0x15: {  	[smem:$0x3FB8] =	sst s0;
	s0 =	simm.s32 @!p2 $0x0  }
0x16: {  	s3 =	sld [smem:$0x3FDB];
	s0 =	simm.s32 @p2 $0x1  }
0x17: {  	s4 =	simm.s32 $0x1BF5;
	[smem:$0x3FBA] =	sst s0  }
0x18: {  	s0 =	sld [smem:$0x3F9D];
	_ =	swait.ge [sflag:s4], $0x0  }
0x19: {  	s7 =	sld [smem:$0x3F9E]  }
0x1a: {  	s8 =	sadd.s32 $0xFFFFE003, lr  }
0x1b: {  	s9 =	sadd.s32 $0xFFFFFEF7, lr;
	s5 =	simm.s32 $0xFFFFFFFF;
	p2 =	slt.u32 s8, $0xFFFFF086  }
0x1c: {  	p1 =	slt.u32 s9, $0xF7A;
	s5 =	simm.s32 @!p2 $0x0  }
0x1d: {  	s5 =	simm.s32 @p1 $0x1;
	p0 =	seq.s32 s7, s2  }
0x1e: {  	s7 =	smul.u32 @!p0 $0xF7A, s2;
	p2 =	seq.s32 @!p0 s5, $0x0  }
0x1f: {  	s9 =	smul.u32 $0xF7A, s1;
	s8 =	simm.s32 @!p0 $0x1BF5;
	p2 =	por !p2, p0  }
0x20: {  	[sflag:s8] =	ssyncset.s32 @!p0 $0xFFFFF086;
	s6 =	sadd.s32 @!p0 s3, s7;
	s7 =	simm.s32 @!p0 $0x108  }
0x21: {  	s3 =	sadd.s32 s3, s9;
	s6 =	sadd.s32 @!p0 $0x88, s6;
	s7 =	simm.s32 @p2 $0x1082  }
0x22: {  	[simem:s7], [sflag:s8] =	dma.local @!p0 [hbm:s6], $0xF7A  }
0x23: {  	s9 =	sor.u32 $0xD0000000, s2;
	s6 =	simm.s32 $0x108;
	_ =	swait.ge @!p0 [sflag:s8], $0x0  }
0x24: {  	s3 =	sadd.s32 $0x88, s3;
	s6 =	simm.s32 @!p1 $0x1082;
	[sflag:s4] =	ssyncset.s32 $0xFFFFF086  }
0x25: {  	[simem:s6], [sflag:s4] =	dma.local [hbm:s3], $0xF7A  }
0x26: {  	[smem:$0x3F9E] =	sst s1;
	(tag) =	ssettag s2;
	_ =	strace s9  }
0x27: {  	s1 =	sld [smem:$0x3FAE]  }
0x28: {  	s2 =	sld [smem:$0x3FAF]  }
0x29: {  	s4 =	sld [smem:$0x3FB1]  }
0x2a: {  	p0 =	seq.s32 s5, $0x0;
	s5 =	sld [smem:$0x3FB2]  }
0x2b: {  	s6 =	sld [smem:$0x3FB3]  }
0x2c: {  	s7 =	sld [smem:$0x3FB4]  }
0x2d: {  	s3 =	simm.s32 $0x108;
	s8 =	sld [smem:$0x3FB5]  }
0x2e: {  	s3 =	simm.s32 @!p0 $0x1082;
	s9 =	sld [smem:$0x3FB6]  }
0x2f: {  	lr =	sadd.s32 s0, s3;
	s0 =	sld [smem:$0x3FAD]  }
0x30: {  	s3 =	sld [smem:$0x3FB0]  }
0x31: {  	[smem:$0x3FB9] =	sst s10  }
0x32: {  	s10 =	sld [smem:$0x3FB7];
	_ =	sdelay $0x3  }
0x33: {  	p0 =	seq.s32 s10, $0x1;
	s10 =	sld [smem:$0x3FB9];
	_ =	sdelay $0x3  }
0x34: {  	[smem:$0x3FB9] =	sst s10  }
0x35: {  	s10 =	sld [smem:$0x3FB8];
	_ =	sdelay $0x3  }
0x36: {  	p1 =	seq.s32 s10, $0x1;
	s10 =	sld [smem:$0x3FB9];
	_ =	sdelay $0x3  }
0x37: {  	[smem:$0x3FB9] =	sst s10  }
0x38: {  	s10 =	sld [smem:$0x3FBA]  }
0x39: {  	_ = 	snop;
	(pc) =	sbr.ind lr, $3  }
0x3a: {  	_ = 	snop  }
0x3b: {  	_ = 	snop  }
0x3c: {  	p2 =	seq.s32 s10, $0x1;
	s10 =	sld [smem:$0x3FB9]  }
0x3d: {  	_ =	shalt  }
0x3e: {  	_ =	shalt  }
0x3f: {  	_ =	shalt  }
0x40: {  	_ =	shalt  }
0x41: {  	_ =	shalt  }
0x42: {  	_ =	shalt  }
0x43: {  	_ =	shalt  }
0x44: {  	_ =	shalt  }
0x45: {  	_ =	shalt  }
0x46: {  	_ =	shalt  }
0x47: {  	_ =	shalt  }
0x48: {  	_ =	shalt  }
0x49: {  	_ =	shalt  }
0x4a: {  	_ =	shalt  }
0x4b: {  	_ =	shalt  }
0x4c: {  	_ =	shalt  }
0x4d: {  	_ =	shalt  }
0x4e: {  	_ =	shalt  }
0x4f: {  	_ =	shalt  }
0x50: {  	_ =	shalt  }
0x51: {  	_ =	shalt  }
0x52: {  	_ =	shalt  }
0x53: {  	_ =	shalt  }
0x54: {  	_ =	shalt  }
0x55: {  	_ =	shalt  }
0x56: {  	_ =	shalt  }
0x57: {  	_ =	shalt  }
0x58: {  	_ =	shalt  }
0x59: {  	_ =	shalt  }
0x5a: {  	_ =	shalt  }
0x5b: {  	_ =	shalt  }
0x5c: {  	_ =	shalt  }
0x5d: {  	_ =	shalt  }
0x5e: {  	_ =	shalt  }
0x5f: {  	_ =	shalt  }
0x60: {  	_ =	shalt  }
0x61: {  	_ =	shalt  }
0x62: {  	_ =	shalt  }
0x63: {  	_ =	shalt  }
0x64: {  	_ =	shalt  }
0x65: {  	_ =	shalt  }
0x66: {  	_ =	shalt  }
0x67: {  	_ =	shalt  }
0x68: {  	_ =	shalt  }
0x69: {  	_ =	shalt  }
0x6a: {  	_ =	shalt  }
0x6b: {  	_ =	shalt  }
0x6c: {  	_ =	shalt  }
0x6d: {  	_ =	shalt  }
0x6e: {  	_ =	shalt  }
0x6f: {  	_ =	shalt  }
0x70: {  	_ =	shalt  }
0x71: {  	_ =	shalt  }
0x72: {  	_ =	shalt  }
0x73: {  	_ =	shalt  }
0x74: {  	_ =	shalt  }
0x75: {  	_ =	shalt  }
0x76: {  	_ =	shalt  }
0x77: {  	_ =	shalt  }
0x78: {  	_ =	shalt  }
0x79: {  	_ =	shalt  }
0x7a: {  	_ =	shalt  }
0x7b: {  	_ =	shalt  }
0x7c: {  	_ =	shalt  }
0x7d: {  	_ =	shalt  }
0x7e: {  	_ =	shalt  }
0x7f: {  	_ =	shalt  }
0x80: {  	_ =	shalt  }
0x81: {  	_ =	shalt  }
0x82: {  	_ =	shalt  }
0x83: {  	_ =	shalt  }
0x84: {  	_ =	shalt  }
0x85: {  	_ =	shalt  }
0x86: {  	_ =	shalt  }
0x87: {  	_ =	shalt  }
.Lfunc_end0:
.L_simem_size_0:
called_computation_lowered:
.L_overlay_start_0:
0x88: {  	s2 =	sld [smem:$0x3FD9]  }
0x89: {  	s3 =	sld [smem:$0x3FFE];
	_ =	sdelay $0x1  }
0x8a: {  	s1 =	srdreg.scid  }
0x8b: {  	s0 =	sand.u32 $0x1, s1  }
0x8c: {  	s17 =	sshll.u32 s0, $0xA;
	s2 =	sadd.s32 s3, s2  }
0x8d: {  	s2 =	sadd.s32 s2, s17  }
0x8e: {  	[smem:$0x3FC5] =	sst s2  }
0x8f: {  	_ = 	snop  }
0x90: {  	s2 =	sld [smem:$0x3FC9]  }
0x91: {  	s18 =	sld [smem:$0x3FC8]  }
0x92: {  	s4 =	sld [smem:$0x3FC7];
	(tm) =	ssettm $0x1  }
0x93: {  	s5 =	sld [smem:$0x3FFB];
	_ =	sdelay $0x3  }
0x94: {  	_ =	strace s5  }
0x95: {  	s5 =	sld [smem:$0x3FFC];
	_ =	sdelay $0x3  }
0x96: {  	_ =	strace s5  }
0x97: {  	s5 =	sld [smem:$0x3FFD];
	_ =	sdelay $0x3  }
0x98: {  	_ =	strace s5  }
0x99: {  	_ =	strace $0x8FFFFFFF  }
0x9a: {  	s19 =	sld [smem:$0x3FDB];
	_ =	sdelay $0x1  }
0x9b: {  	s6 =	simm.s32 $_scs_section_size  }
0x9c: {  	s7 =	simm.s32 $_size__tile_overlayer_lowered;
	s8 =	simm.s32 $_tile_overlayer_lowered  }
0x9d: {  	s22 =	simm.s32 $0x1BFF;
	s21 =	sshll.u32 s8, $0x1;
	s5 =	sadd.s32 s6, s19  }
0x9e: {  	s9 =	simm.s32 $0x0;
	s20 =	sshll.u32 s7, $0x1;
	s7 =	sadd.s32 s21, s5  }
0x9f: {  	[timem:s9], [sflag:s22] =	dma.local [hbm:s7], s20  }
0xa0: {  	_ =	swait.ge [sflag:s22], s20  }
0xa1: {  	s6 =	ssub.s32 $0x0, s20;
	[sflag:s22] =	ssyncset.done $0x0  }
0xa2: {  	[sflag:s22] =	ssyncadd.s32 s6;
	_ =	sdelay $0x1  }
0xa3: {  	s23 =	simm.s32 $0x1B8B  }
0xa4: {  	_ =	swait.ge [sflag:s23], $0x1  }
0xa5: {  	[sflag:s23] =	ssyncset.done $0x0  }
0xa6: {  	s25 =	simm.s32 $0x1B8E;
	s24 =	sld [smem:$0x3FFE];
	[sflag:s23] =	ssyncadd.s32 $0xFFFFFFFF  }
0xa7: {  	s26 =	simm.s32 $execute0_lowered;
	[smem:$0x3FD2] =	sst s25  }
0xa8: {  	s7 =	sshll.u32 s26, $0x1;
	_ =	strace $0x80000046;
	[dreg:$0x1] =	wrdreg $0xFFFFFFFF  }
0xa9: {  	s28 =	simm.s32 $_size_execute0_lowered;
	s5 =	sadd.s32 s5, s7;
	[dreg:$0x0] =	wrdreg $0x0  }
0xaa: {  	s7 =	sshll.u32 s28, $0x1;
	[dreg:$0x2] =	wrdreg s5  }
0xab: {  	[dreg:$0x3] =	wrdreg s7  }
0xac: {  	[dreg:$0x4] =	wrdreg $0xC0  }
0xad: {  	_ =	task [dreg:s9], $0x5FFFF  }
0xae: {  	[dreg:$0x1] =	wrdreg $0xFFFFFFFF  }
0xaf: {  	[dreg:$0x0] =	wrdreg $0x60  }
0xb0: {  	[dreg:$0x2] =	wrdreg s2  }
0xb1: {  	[dreg:$0x3] =	wrdreg s18  }
0xb2: {  	[dreg:$0x4] =	wrdreg s4  }
0xb3: {  	[dreg:$0x5] =	wrdreg s24  }
0xb4: {  	[dreg:$0x6] =	wrdreg $0x9  }
0xb5: {  	_ =	task.clear_ibuf [dreg:s9], $0x7FFFF;
	_ =	strace $0x90000046  }
0xb6: {  	s29 =	simm.s32 $0x9;
	_ =	strace $0x80000048  }
0xb7: {  	_ =	swait.ge [sflag:s29], $0x1  }
0xb8: {  	[sflag:s29] =	ssyncadd.s32 $0xFFFFFFFF  }
0xb9: {  	_ =	strace $0x90000048  }
0xba: {  	_ =	sfence  }
0xbb: {  	s30 =	sld [smem:$0x0];
	_ =	sdelay $0x2  }
0xbc: {  	s31 =	sshll.u32 s1, $0xD;
	s1 =	sshrl.u32 s1, $0x2  }
0xbd: {  	s3 =	sand.u32 $0x4000, s31;
	s1 =	sadd.s32 s1, s30  }
0xbe: {  	s0 =	sor.u32 s3, s0;
	s1 =	sshll.u32 s1, $0x11  }
0xbf: {  	s0 =	sor.u32 s1, s0  }
0xc0: {  	s0 =	sadd.s32 $0x8F2B, s0  }
0xc1: {  	[sflag:s0] =	ssyncadd.remote.s32 $0x1  }
0xc2: {  	_ =	sfence.sel $0xFFFF  }
0xc3: {  	[dreg:$0x0] =	wrdreg $0xFFFFFFFF;
	(pc) =	sbr.abs _section_cstart, $3  }
0xc4: {  	[dreg:$0x1] =	wrdreg $0xFFFFFFFF  }
0xc5: {  	_ =	task.clear_ibuf [dreg:s9], $0x2FFFF;
	_ =	strace $0x9FFFFFFF  }
0xc6: {  	(tm) =	ssettm $0x7FFFFFFF  }
0xc7: {  	_ =	shalt  }
tec
execute0_lowered:
.L_overlay_start_1:
0x0: {  	(tag) =	ssettag $0x1  }
0x1: {  	s1 =	rddreg [dreg:$0x0]  }
0x2: {  	s2 =	rddreg [dreg:$0x1]  }
0x3: {  	s0 =	rddreg [dreg:$0x2]  }
0x4: {  	s5 =	rddreg [dreg:$0x3]  }
0x5: {  	s4 =	srdreg.scid;
	s3 =	stileid.u32  }
0x6: {  	s14 =	simm.s32 $0x2;
	s15 =	simm.s32 $0x80;
	s16 =	simm.s32 $0x880  }
0x7: {  	s17 =	simm.s32 $0x1080;
	s18 =	simm.s32 $0x1880;
	s19 =	simm.s32 $0x2080  }
0x8: {  	s20 =	simm.s32 $0x2880;
	s21 =	simm.s32 $0x3080;
	s22 =	simm.s32 $0x3880  }
0x9: {  	s23 =	simm.s32 $0x4080;
	s24 =	simm.s32 $0x4880;
	s25 =	simm.s32 $0x5080  }
0xa: {  	s26 =	simm.s32 $0x5880;
	s28 =	simm.s32 $0x6080;
	s29 =	simm.s32 $0x6880  }
0xb: {  	s30 =	simm.s32 $0x7080;
	s31 =	simm.s32 $0x7880;
	s6 =	sand.u32 $0x1, s4  }
0xc: {  	s4 =	simm.s32 $0x0;
	s7 =	sshll.u32 s3, $0x6;
	s10 =	sadd.s32 $0x200, s2  }
0xd: {  	s11 =	sadd.s32 $0x300, s2;
	s8 =	sshll.u32 s6, $0x5;
	[smem:$0x7FF] =	sst s4  }
0xe: {  	s6 =	ssub.s32 $0x2, s6;
	s7 =	sor.u32 s8, s7;
	_ =	strace $0x80000047  }
0xf: {  	s9 =	sshrl.u32 s6, $0x1;
	s8 =	sshrl.u32 s7, $0x3;
	s7 =	sshll.u32 s7, $0x7  }
0x10: {  	s13 =	ssub.s32 s6, s9;
	s6 =	sadd.s32 $0x200, s1;
	s9 =	sadd.s32 $0x100, s2  }
0x11: {  	v2 =	vlaneseq.u32;
	s0 =	sadd.s32 s0, s8;
	s12 =	sadd.s32 s7, s5;
	s5 =	sadd.s32 $0x100, s1  }
0x12: {  	vm0 =	vmmov $0xffff;
	v1 =	vshrl.u32 v2, $0x3;
	s7 =	sadd.s32 $0x300, s1;
	s13 =	smax.u32 s13, $0x1;
	[dreg:$0x5] =	wrdreg s0  }
0x13: {  	v0 =	vand.u32 $0x7, v2;
	v2 =	vor.u32 $0x8, v2;
	v1 =	vmul.u32 $0x8, v1;
	s8 =	sadd.s32 $0x1200, s12;
	s12 =	sadd.s32 $0x21200, s12;
	s0 =	simm.s32 $0x1  }
.LBB2_1:
0x14: {  	s3 =	rddreg [dreg:$0x5]  }
0x15: {  	[tilespmem:s4], [sflag:$0x2] =	stream.linear.gather [hbm4b:s3+s4], $0x20, $0x38;
	[tilespmem:$0x8080] =	vst v63  }
0x16: {  	_ =	swait.ge [sflag:s14], $0x20  }
0x17: {  	[sflag:s14] =	ssyncset.done $0x0  }
0x18: {  	[sflag:s14] =	ssyncadd.s32 $0xFFFFFFE0  }
0x19: {  	v3 =	vld [tilespmem:$0x0];
	_ =	sdelay $0x4  }
0x1a: {  	v4 =	vshll.u32 v3, $0x3  }
0x1b: {  	v3 =	vand.u32 $0x7, v3;
	v4 =	vand.u32 $0xFFFFFFC0, v4  }
0x1c: {  	v3 =	vor.u32 v3, v4  }
0x1d: {  	v4 =	vperm.xlane v3, v0;
	_ =	sdelay $0x1  }
0x1e: {  	v4 =	vadd.s32 v1, v4;
	_ =	sdelay $0x4  }
0x1f: {  	[tilespmem:s15], [sflag:$0x1] =	stream.indirect_vreg.gather [hbm4b:s1+s4], $0x80, v4, vm0, $0xb8;
	[tilespmem:$0x8080] =	vst v63  }
0x20: {  	v3 =	vperm.xlane v3, v2  }
0x21: {  	[tilespmem:s16], [sflag:$0x1] =	stream.indirect_vreg.gather [hbm4b:s5+s4], $0x80, v4, vm0, $0xb8;
	[tilespmem:$0x8080] =	vst v63  }
0x22: {  	v3 =	vadd.s32 v1, v3  }
0x23: {  	[tilespmem:s17], [sflag:$0x1] =	stream.indirect_vreg.gather [hbm4b:s6+s4], $0x80, v4, vm0, $0xb8;
	[tilespmem:$0x8080] =	vst v63  }
0x24: {  	_ = 	snop  }
0x25: {  	[tilespmem:s18], [sflag:$0x1] =	stream.indirect_vreg.gather [hbm4b:s7+s4], $0x80, v4, vm0, $0xb8;
	[tilespmem:$0x8080] =	vst v63  }
0x26: {  	_ = 	snop  }
0x27: {  	[tilespmem:s19], [sflag:$0x1] =	stream.indirect_vreg.gather [hbm4b:s1+s4], $0x80, v3, vm0, $0xb8;
	[tilespmem:$0x8080] =	vst v63  }
0x28: {  	_ = 	snop  }
0x29: {  	[tilespmem:s20], [sflag:$0x1] =	stream.indirect_vreg.gather [hbm4b:s5+s4], $0x80, v3, vm0, $0xb8;
	[tilespmem:$0x8080] =	vst v63  }
0x2a: {  	_ = 	snop  }
0x2b: {  	[tilespmem:s21], [sflag:$0x1] =	stream.indirect_vreg.gather [hbm4b:s6+s4], $0x80, v3, vm0, $0xb8;
	[tilespmem:$0x8080] =	vst v63  }
0x2c: {  	_ = 	snop  }
0x2d: {  	[tilespmem:s22], [sflag:$0x1] =	stream.indirect_vreg.gather [hbm4b:s7+s4], $0x80, v3, vm0, $0xb8;
	[tilespmem:$0x8080] =	vst v63  }
0x2e: {  	v3 =	vld [tilespmem:$0x10];
	_ =	sdelay $0x4  }
0x2f: {  	v61 =	vshll.u32 v3, $0x3  }
0x30: {  	v3 =	vand.u32 $0x7, v3;
	v4 =	vand.u32 $0xFFFFFFC0, v61  }
0x31: {  	v3 =	vor.u32 v3, v4  }
0x32: {  	v4 =	vperm.xlane v3, v0;
	_ =	sdelay $0x1  }
0x33: {  	v4 =	vadd.s32 v1, v4;
	_ =	sdelay $0x4  }
0x34: {  	[tilespmem:s23], [sflag:$0x1] =	stream.indirect_vreg.gather [hbm4b:s1+s4], $0x80, v4, vm0, $0xb8;
	[tilespmem:$0x8080] =	vst v63  }
0x35: {  	v3 =	vperm.xlane v3, v2  }
0x36: {  	[tilespmem:s24], [sflag:$0x1] =	stream.indirect_vreg.gather [hbm4b:s5+s4], $0x80, v4, vm0, $0xb8;
	[tilespmem:$0x8080] =	vst v63  }
0x37: {  	v3 =	vadd.s32 v1, v3  }
0x38: {  	[tilespmem:s25], [sflag:$0x1] =	stream.indirect_vreg.gather [hbm4b:s6+s4], $0x80, v4, vm0, $0xb8;
	[tilespmem:$0x8080] =	vst v63  }
0x39: {  	_ = 	snop  }
0x3a: {  	[tilespmem:s26], [sflag:$0x1] =	stream.indirect_vreg.gather [hbm4b:s7+s4], $0x80, v4, vm0, $0xb8;
	[tilespmem:$0x8080] =	vst v63  }
0x3b: {  	_ = 	snop  }
0x3c: {  	[tilespmem:s28], [sflag:$0x1] =	stream.indirect_vreg.gather [hbm4b:s1+s4], $0x80, v3, vm0, $0xb8;
	[tilespmem:$0x8080] =	vst v63  }
0x3d: {  	_ = 	snop  }
0x3e: {  	[tilespmem:s29], [sflag:$0x1] =	stream.indirect_vreg.gather [hbm4b:s5+s4], $0x80, v3, vm0, $0xb8;
	[tilespmem:$0x8080] =	vst v63  }
0x3f: {  	_ = 	snop  }
0x40: {  	[tilespmem:s30], [sflag:$0x1] =	stream.indirect_vreg.gather [hbm4b:s6+s4], $0x80, v3, vm0, $0xb8;
	[tilespmem:$0x8080] =	vst v63  }
0x41: {  	_ = 	snop  }
0x42: {  	[tilespmem:s31], [sflag:$0x1] =	stream.indirect_vreg.gather [hbm4b:s7+s4], $0x80, v3, vm0, $0xb8;
	[tilespmem:$0x8080] =	vst v63  }
0x43: {  	_ =	swait.ge [sflag:s0], $0x8000  }
0x44: {  	[sflag:s0] =	ssyncset.done $0x0  }
0x45: {  	[sflag:s0] =	ssyncadd.s32 $0xFFFF8000  }
0x46: {  	[hbm4b:s8+s4] =	stream.linear.scatter [tilespmem:s15], [sflag:$0x2], $0x8000, $0x38;
	[tilespmem:$0x8080] =	vst v63  }
0x47: {  	_ =	swait.ge [sflag:s14], $0x8000  }
0x48: {  	[sflag:s14] =	ssyncset.done $0x0  }
0x49: {  	[sflag:s14] =	ssyncadd.s32 $0xFFFF8000  }
0x4a: {  	v3 =	vld [tilespmem:$0x0];
	_ =	sdelay $0x4  }
0x4b: {  	v62 =	vshll.u32 v3, $0x3  }
0x4c: {  	v3 =	vand.u32 $0x7, v3;
	v4 =	vand.u32 $0xFFFFFFC0, v62  }
0x4d: {  	v3 =	vor.u32 v3, v4  }
0x4e: {  	v4 =	vperm.xlane v3, v0;
	_ =	sdelay $0x1  }
0x4f: {  	v4 =	vadd.s32 v1, v4;
	_ =	sdelay $0x4  }
0x50: {  	[tilespmem:s15], [sflag:$0x1] =	stream.indirect_vreg.gather [hbm4b:s2+s4], $0x80, v4, vm0, $0xb8;
	[tilespmem:$0x8080] =	vst v63  }
0x51: {  	v3 =	vperm.xlane v3, v2  }
0x52: {  	[tilespmem:s16], [sflag:$0x1] =	stream.indirect_vreg.gather [hbm4b:s9+s4], $0x80, v4, vm0, $0xb8;
	[tilespmem:$0x8080] =	vst v63  }
0x53: {  	v3 =	vadd.s32 v1, v3  }
0x54: {  	[tilespmem:s17], [sflag:$0x1] =	stream.indirect_vreg.gather [hbm4b:s10+s4], $0x80, v4, vm0, $0xb8;
	[tilespmem:$0x8080] =	vst v63  }
0x55: {  	_ = 	snop  }
0x56: {  	[tilespmem:s18], [sflag:$0x1] =	stream.indirect_vreg.gather [hbm4b:s11+s4], $0x80, v4, vm0, $0xb8;
	[tilespmem:$0x8080] =	vst v63  }
0x57: {  	_ = 	snop  }
0x58: {  	[tilespmem:s19], [sflag:$0x1] =	stream.indirect_vreg.gather [hbm4b:s2+s4], $0x80, v3, vm0, $0xb8;
	[tilespmem:$0x8080] =	vst v63  }
0x59: {  	_ = 	snop  }
0x5a: {  	[tilespmem:s20], [sflag:$0x1] =	stream.indirect_vreg.gather [hbm4b:s9+s4], $0x80, v3, vm0, $0xb8;
	[tilespmem:$0x8080] =	vst v63  }
0x5b: {  	_ = 	snop  }
0x5c: {  	[tilespmem:s21], [sflag:$0x1] =	stream.indirect_vreg.gather [hbm4b:s10+s4], $0x80, v3, vm0, $0xb8;
	[tilespmem:$0x8080] =	vst v63  }
0x5d: {  	_ = 	snop  }
0x5e: {  	[tilespmem:s22], [sflag:$0x1] =	stream.indirect_vreg.gather [hbm4b:s11+s4], $0x80, v3, vm0, $0xb8;
	[tilespmem:$0x8080] =	vst v63  }
0x5f: {  	v3 =	vld [tilespmem:$0x10];
	_ =	sdelay $0x4  }
0x60: {  	v63 =	vshll.u32 v3, $0x3  }
0x61: {  	v3 =	vand.u32 $0x7, v3;
	v4 =	vand.u32 $0xFFFFFFC0, v63  }
0x62: {  	v3 =	vor.u32 v3, v4  }
0x63: {  	v4 =	vperm.xlane v3, v0;
	_ =	sdelay $0x1  }
0x64: {  	v4 =	vadd.s32 v1, v4;
	_ =	sdelay $0x4  }
0x65: {  	[tilespmem:s23], [sflag:$0x1] =	stream.indirect_vreg.gather [hbm4b:s2+s4], $0x80, v4, vm0, $0xb8;
	[tilespmem:$0x8080] =	vst v63  }
0x66: {  	v3 =	vperm.xlane v3, v2  }
0x67: {  	[tilespmem:s24], [sflag:$0x1] =	stream.indirect_vreg.gather [hbm4b:s9+s4], $0x80, v4, vm0, $0xb8;
	[tilespmem:$0x8080] =	vst v63  }
0x68: {  	v3 =	vadd.s32 v1, v3  }
0x69: {  	[tilespmem:s25], [sflag:$0x1] =	stream.indirect_vreg.gather [hbm4b:s10+s4], $0x80, v4, vm0, $0xb8;
	[tilespmem:$0x8080] =	vst v63  }
0x6a: {  	_ = 	snop  }
0x6b: {  	[tilespmem:s26], [sflag:$0x1] =	stream.indirect_vreg.gather [hbm4b:s11+s4], $0x80, v4, vm0, $0xb8;
	[tilespmem:$0x8080] =	vst v63  }
0x6c: {  	_ = 	snop  }
0x6d: {  	[tilespmem:s28], [sflag:$0x1] =	stream.indirect_vreg.gather [hbm4b:s2+s4], $0x80, v3, vm0, $0xb8;
	[tilespmem:$0x8080] =	vst v63  }
0x6e: {  	_ = 	snop  }
0x6f: {  	[tilespmem:s29], [sflag:$0x1] =	stream.indirect_vreg.gather [hbm4b:s9+s4], $0x80, v3, vm0, $0xb8;
	[tilespmem:$0x8080] =	vst v63  }
0x70: {  	_ = 	snop  }
0x71: {  	[tilespmem:s30], [sflag:$0x1] =	stream.indirect_vreg.gather [hbm4b:s10+s4], $0x80, v3, vm0, $0xb8;
	[tilespmem:$0x8080] =	vst v63  }
0x72: {  	_ = 	snop  }
0x73: {  	[tilespmem:s31], [sflag:$0x1] =	stream.indirect_vreg.gather [hbm4b:s11+s4], $0x80, v3, vm0, $0xb8;
	[tilespmem:$0x8080] =	vst v63  }
0x74: {  	_ =	swait.ge [sflag:s0], $0x8000  }
0x75: {  	p0 =	sne.s32 s13, $0x1;
	[sflag:s0] =	ssyncset.done $0x0  }
.Ltmp0:
0x76: {  	[sflag:s0] =	ssyncadd.s32 $0xFFFF8000;
	(pc) =	sbr.rel @p0 .LBB2_1-.Ltmp0, $4  }
0x77: {  	[hbm4b:s12+s4] =	stream.linear.scatter [tilespmem:s15], [sflag:$0x2], $0x8000, $0x38;
	[tilespmem:$0x8080] =	vst v63  }
0x78: {  	_ =	swait.ge [sflag:s14], $0x8000  }
0x79: {  	[sflag:s14] =	ssyncset.done $0x0  }
0x7a: {  	s13 =	sadd.s32 $0xFFFFFFFF, s13;
	[sflag:s14] =	ssyncadd.s32 $0xFFFF8000  }
0x7b: {  	_ =	sfence.sel $0x180000  }
0x7c: {  	[bflag:$0x0] =	sbarrier.arrive $0xFFFF  }
0x7d: {  	_ =	strace $0x90000047  }
0x7e: {  	s0 =	stileid.u32;
	[bflag:$0x2] =	sbarrier.arrive $0xFFFF  }
0x7f: {  	p0 =	sne.s32 s0, $0x0;
	s0 =	rddreg [dreg:$0x4]  }
0x80: {  	s0 =	sadd.s32 @!p0 $0x100000, s0  }
0x81: {  	[sflag:s0] =	ssyncadd.tile.s32 @!p0 $0x1;
	_ =	shalt  }
.Lfunc_end2:
_tile_overlayer_lowered:
.L_overlay_start_2:
0x82: {  	(tag) =	ssettag $0x2  }
0x83: {  	s0 =	rddreg [dreg:$0x0];
	s2 =	stileid.u32  }
0x84: {  	s1 =	rddreg [dreg:$0x1];
	p0 =	sne.s32 s2, $0x0  }
0x85: {  	s3 =	rddreg [dreg:$0x2];
	[bflag:$0x3] =	sbarrier.arrive $0xFFFF;
	s2 =	simm.s32 @!p0 $0x1C02  }
0x86: {  	[timem:s3], [sflag:s2] =	dma.local @!p0 [hbm:s0], s1  }
0x87: {  	s0 =	simm.s32 @!p0 $0x2  }
0x88: {  	_ =	swait.ge @!p0 [sflag:s0], s1  }
0x89: {  	s1 =	ssub.s32 @!p0 $0x0, s1;
	[sflag:s0] =	ssyncset.done @!p0 $0x0  }
0x8a: {  	[sflag:s0] =	ssyncadd.s32 @!p0 s1  }
0x8b: {  	[bflag:$0x3] =	sbarrier.arrive $0xFFFF  }
0x8c: {  	_ =	shalt  }

</sc_bundles>
